<compile_context>
chip_gen: v7x
topology: tpu7x:2x2x1
jax: 0.10.2.dev20260603
libtpu: 0.0.44.dev20260713+nightly
codegen_flags: <defaults>
</compile_context>

<pallas_src>
import functools

import jax
import jax.numpy as jnp
from jax import lax
from jax.experimental import pallas as pl
from jax.experimental.pallas import tpu as pltpu
from jax.experimental.pallas import tpu_sc as plsc


def _tc_body(segs_per_step, t_per_b, z_ref, w_ref, inds_ref, loss_ref):
    z = z_ref[...]
    w = w_ref[...]
    nb = z.shape[0]
    k = w.shape[0]

    wsq2 = 0.5 * jnp.sum(w * w, axis=1, keepdims=True)
    dT = lax.dot_general(
        w, z, (((1,), (1,)), ((), ())),
        precision=lax.Precision.HIGHEST,
        preferred_element_type=jnp.float32,
    )
    score = wsq2 - dT

    m = jnp.min(score, axis=0, keepdims=True)
    kiota = lax.broadcasted_iota(jnp.int32, score.shape, 0)
    inds = jnp.min(jnp.where(score <= m, kiota, k),
                   axis=0, keepdims=True)
    off = pl.multiple_of(pl.program_id(0) * nb, 128)
    inds_ref[pl.ds(off, nb)] = inds.reshape(nb)

    dl = jnp.sum(jnp.where(kiota == inds, dT, 0.0),
                 axis=0, keepdims=True)
    tio = lax.broadcasted_iota(jnp.int32, dl.shape, 1)
    acc = jnp.zeros((1, 1), jnp.float32)
    for b in range(segs_per_step):
        mask = (tio >= b * t_per_b) & (tio < (b + 1) * t_per_b)
        mx = jnp.max(jnp.where(mask, dl, -1e30), axis=1, keepdims=True)
        e = jnp.exp(jnp.where(mask, dl - mx, -1e30))
        s = jnp.sum(e, axis=1, keepdims=True)
        acc = acc + jnp.sum(e / s, axis=1, keepdims=True)

    @pl.when(pl.program_id(0) == 0)
    def _():
        loss_ref[0] = 0.0

    loss_ref[0] += acc[0, 0]


def _sc_gather(table, idx):
    V, D = table.shape
    (N,) = idx.shape
    info = plsc.get_sparse_core_info()
    nw = info.num_subcores
    assert N % (8 * nw) == 0 and D % info.num_lanes == 0
    n_per_w = N // nw
    mesh = plsc.VectorSubcoreMesh(core_axis_name="c", subcore_axis_name="s",
                                  num_cores=1)

    @functools.partial(
        pl.kernel, mesh=mesh,
        out_type=jax.ShapeDtypeStruct((N, D), jnp.float32),
        compiler_params=pltpu.CompilerParams(use_tc_tiling_on_sc=False),
        scratch_types=[
            pltpu.VMEM((n_per_w,), jnp.int32),
            pltpu.VMEM((n_per_w, D), jnp.float32),
            pltpu.SemaphoreType.DMA,
        ],
    )
    def k(table_hbm, idx_hbm, out_hbm, idx_v, rows_v, sem):
        wid = lax.axis_index("s")
        base = wid * n_per_w
        pltpu.sync_copy(idx_hbm.at[pl.ds(base, n_per_w)], idx_v)
        pltpu.async_copy(table_hbm.at[idx_v], rows_v, sem).wait()
        pltpu.sync_copy(rows_v, out_hbm.at[pl.ds(base, n_per_w)])

    return k(table, idx)


def kernel(latents, weight):
    B, T, D = latents.shape
    K = weight.shape[0]
    N = B * T
    steps = 2
    nb = N // steps
    segs = B // steps

    inds1, loss = pl.pallas_call(
        functools.partial(_tc_body, segs, T),
        grid=(steps,),
        in_specs=[
            pl.BlockSpec((nb, D), lambda i: (i, 0)),
            pl.BlockSpec((K, D), lambda i: (0, 0)),
        ],
        out_specs=[
            pl.BlockSpec((N,), lambda i: (0,)),
            pl.BlockSpec((1,), lambda i: (0,), memory_space=pltpu.SMEM),
        ],
        out_shape=[
            jax.ShapeDtypeStruct((N,), jnp.int32),
            jax.ShapeDtypeStruct((1,), jnp.float32),
        ],
    )(latents.reshape(N, D), weight)

    q = _sc_gather(weight, inds1)
    return (q.reshape(B, T, D), loss.reshape(()))

# --- scband reference (transcript-rebuilt; emitter-appended) ---
"""Pipeline reference for scband-vector-quantizer-11467562680733 (READ-ONLY COPY).

The authoritative reference and input builder live on the scoring server;
editing this copy changes nothing except your own understanding.
"""

import jax, jax.numpy as jnp
import numpy as np

COMMITMENT_COST = 0.25

def setup_inputs(seed: int = 0) -> dict:
    key = jax.random.key(seed)
    k1, k2 = jax.random.split(key)
    latents = jax.random.normal(k1, (4, 576, 64), dtype=jnp.float32)
    # learned parameter: embedding table [num_embeddings, embedding_dim]
    weight = jax.random.normal(k2, (1024, 64), dtype=jnp.float32)
    return {"latents": latents, "weight": weight}

def reference(latents, weight):
    # sub = latents.unsqueeze(-2) - weights  -> [B, T, K, d]
    sub = latents[..., None, :] - weight[None, None, :, :]
    # torch.linalg.vector_norm(sub, dim=-1)
    dist = jnp.sqrt(jnp.sum(sub * sub, axis=-1))
    encoding_inds = jnp.argmin(dist, axis=-1)
    # quantize: embedding lookup
    quantized_latents = jnp.take(weight, encoding_inds, axis=0)
    # losses computed as in the original (vq_loss is subsequently overwritten)
    codebook_loss = jnp.mean((jax.lax.stop_gradient(latents) - quantized_latents) ** 2)
    commitment_loss = jnp.mean((latents - jax.lax.stop_gradient(quantized_latents)) ** 2)
    vq_loss = codebook_loss + COMMITMENT_COST * commitment_loss
    dot_loss = jnp.sum(latents * quantized_latents, axis=-1)
    softmax_loss = jax.nn.softmax(dot_loss, axis=-1)
    vq_loss = jnp.sum(softmax_loss)
    # straight-through estimator
    quantized_out = latents + jax.lax.stop_gradient(quantized_latents - latents)
    return (quantized_out, vq_loss)

if __name__ == "__main__":
    import jax
    _d = setup_inputs()
    print(jax.jit(kernel)(*tuple(_d.values())))

</pallas_src>

<mosaic_0001>
#map = affine_map<(d0, d1) -> (0, 0)>
#map1 = affine_map<(d0, d1) -> (0)>
module attributes {stable_mosaic.version = 14 : i64} {
  func.func @k(%arg0: i32, %arg1: i32, %arg2: memref<1024x64xf32, #tpu.memory_space<hbm>>, %arg3: memref<2304xi32, #tpu.memory_space<hbm>>, %arg4: memref<2304x64xf32, #tpu.memory_space<hbm>>, %arg5: memref<144xi32, #tpu.memory_space<vmem>>, %arg6: memref<144x64xf32, #tpu.memory_space<vmem>>, %arg7: memref<!tpu.dma_semaphore, #tpu.memory_space<semaphore_mem>>) attributes {dimension_semantics = [#tpu.dimension_semantics<core_parallel>, #tpu.dimension_semantics<subcore_parallel>], iteration_bounds = array<i64: 1, 16>, scalar_prefetch = 0 : i64, scratch_operands = 3 : i64, tpu.core_type = #tpu.core_type<sc_vector_subcore>, window_params = [{transform_indices = #map}, {transform_indices = #map1}, {transform_indices = #map}]} {
    %mul3A = arith.constant 144 : i32
    %mul3A_0 = arith.muli %arg1, %mul3A : i32
    "tpu.region"() ({
      %run_scoped3A = tpu.sem_alloc : memref<!tpu.dma_semaphore, #tpu.memory_space<semaphore_mem>>
      %dma_start3A_5 = tpu.memref_slice %arg3[%mul3A_0] : memref<2304xi32, #tpu.memory_space<hbm>> -> memref<144xi32, #tpu.memory_space<hbm>>
      %dma_start3A_6 = tpu.memref_slice %arg3[%mul3A_0] : memref<2304xi32, #tpu.memory_space<hbm>> -> memref<144xi32, #tpu.memory_space<hbm>>
      tpu.enqueue_dma source(%dma_start3A_6 : memref<144xi32, #tpu.memory_space<hbm>>) target(%arg5 : memref<144xi32, #tpu.memory_space<vmem>>) target_semaphore(%run_scoped3A : memref<!tpu.dma_semaphore, #tpu.memory_space<semaphore_mem>>)
      %dma_wait3A_7 = tpu.memref_slice %arg3[%mul3A_0] : memref<2304xi32, #tpu.memory_space<hbm>> -> memref<144xi32, #tpu.memory_space<hbm>>
      %dma_wait3A_8 = tpu.memref_slice %arg3[%mul3A_0] : memref<2304xi32, #tpu.memory_space<hbm>> -> memref<144xi32, #tpu.memory_space<hbm>>
      tpu.wait_dma2 semaphore(%run_scoped3A : memref<!tpu.dma_semaphore, #tpu.memory_space<semaphore_mem>>) src(%dma_wait3A_8 : memref<144xi32, #tpu.memory_space<hbm>>) dst(%arg5 : memref<144xi32, #tpu.memory_space<vmem>>)
      tpu.yield
    }) : () -> ()
    %dma_start3A = arith.constant 0 : i32
    %dma_start3A_1 = arith.constant 0 : i32
    %dma_start3A_2 = tpu.memref_slice %arg2[%dma_start3A, %dma_start3A_1] : memref<1024x64xf32, #tpu.memory_space<hbm>> -> memref<1024x64xf32, #tpu.memory_space<hbm>>
    tpu.enqueue_indirect_dma source(%dma_start3A_2 : memref<1024x64xf32, #tpu.memory_space<hbm>>) target(%arg6 : memref<144x64xf32, #tpu.memory_space<vmem>>) offsets(%arg5 : memref<144xi32, #tpu.memory_space<vmem>>) semaphore(%arg7 : memref<!tpu.dma_semaphore, #tpu.memory_space<semaphore_mem>>)
    %dma_wait3A = arith.constant 0 : i32
    %dma_wait3A_3 = arith.constant 0 : i32
    %dma_wait3A_4 = tpu.memref_slice %arg2[%dma_wait3A, %dma_wait3A_3] : memref<1024x64xf32, #tpu.memory_space<hbm>> -> memref<1024x64xf32, #tpu.memory_space<hbm>>
    tpu.wait_indirect_dma semaphore(%arg7 : memref<!tpu.dma_semaphore, #tpu.memory_space<semaphore_mem>>) src(%dma_wait3A_4 : memref<1024x64xf32, #tpu.memory_space<hbm>>) dst(%arg6 : memref<144x64xf32, #tpu.memory_space<vmem>>)
    "tpu.region"() ({
      %run_scoped3A = tpu.sem_alloc : memref<!tpu.dma_semaphore, #tpu.memory_space<semaphore_mem>>
      %dma_start3A_5 = arith.constant 0 : i32
      %dma_start3A_6 = tpu.memref_slice %arg4[%mul3A_0, %dma_start3A_5] : memref<2304x64xf32, #tpu.memory_space<hbm>> -> memref<144x64xf32, #tpu.memory_space<hbm>>
      %dma_start3A_7 = arith.constant 0 : i32
      %dma_start3A_8 = tpu.memref_slice %arg4[%mul3A_0, %dma_start3A_7] : memref<2304x64xf32, #tpu.memory_space<hbm>> -> memref<144x64xf32, #tpu.memory_space<hbm>>
      tpu.enqueue_dma source(%arg6 : memref<144x64xf32, #tpu.memory_space<vmem>>) target(%dma_start3A_8 : memref<144x64xf32, #tpu.memory_space<hbm>>) target_semaphore(%run_scoped3A : memref<!tpu.dma_semaphore, #tpu.memory_space<semaphore_mem>>)
      %dma_wait3A_9 = arith.constant 0 : i32
      %dma_wait3A_10 = tpu.memref_slice %arg4[%mul3A_0, %dma_wait3A_9] : memref<2304x64xf32, #tpu.memory_space<hbm>> -> memref<144x64xf32, #tpu.memory_space<hbm>>
      %dma_wait3A_11 = arith.constant 0 : i32
      %dma_wait3A_12 = tpu.memref_slice %arg4[%mul3A_0, %dma_wait3A_11] : memref<2304x64xf32, #tpu.memory_space<hbm>> -> memref<144x64xf32, #tpu.memory_space<hbm>>
      tpu.wait_dma2 semaphore(%run_scoped3A : memref<!tpu.dma_semaphore, #tpu.memory_space<semaphore_mem>>) src(%arg6 : memref<144x64xf32, #tpu.memory_space<vmem>>) dst(%dma_wait3A_12 : memref<144x64xf32, #tpu.memory_space<hbm>>)
      tpu.yield
    }) : () -> ()
    return
  }
}

module attributes {stable_mosaic.version = 14 : i64} {
  func.func @_tc_body(%arg0: i32, %arg1: memref<1152x64xf32, #tpu.memory_space<vmem>>, %arg2: memref<1024x64xf32, #tpu.memory_space<vmem>>, %arg3: memref<2304xi32, #tpu.memory_space<vmem>>, %arg4: memref<1xf32, #tpu.memory_space<smem>>) attributes {dimension_semantics = [#tpu.dimension_semantics<arbitrary>], iteration_bounds = array<i64: 2>, scalar_prefetch = 0 : i64, scratch_operands = 0 : i64, tpu.core_type = #tpu.core_type<tc>, window_params = [{transform_indices = @transform_0, window_bounds = array<i64: 1152, 64>}, {pipeline_mode = #tpu.pipeline_mode<synchronous>, transform_indices = @transform_1, window_bounds = array<i64: 1024, 64>}, {pipeline_mode = #tpu.pipeline_mode<synchronous>, transform_indices = @transform_2, window_bounds = array<i64: 2304>}, {transform_indices = @transform_3, window_bounds = array<i64: 1>}]} {
    %get3A = arith.constant 0 : index
    %get3A_0 = arith.constant 0 : index
    %get3A_1 = vector.load %arg1[%get3A, %get3A_0] : memref<1152x64xf32, #tpu.memory_space<vmem>>, vector<1152x64xf32>
    %get3A_2 = arith.constant 0 : index
    %get3A_3 = arith.constant 0 : index
    %get3A_4 = vector.load %arg2[%get3A_2, %get3A_3] : memref<1024x64xf32, #tpu.memory_space<vmem>>, vector<1024x64xf32>
    %mul3A = arith.mulf %get3A_4, %get3A_4 : vector<1024x64xf32>
    %reduce_sum3A = arith.constant dense<0.000000e+00> : vector<1024xf32>
    %reduce_sum3A_5 = vector.multi_reduction <add>, %mul3A, %reduce_sum3A [1] : vector<1024x64xf32> to vector<1024xf32>
    %broadcast_in_dim3A = vector.shape_cast %reduce_sum3A_5 : vector<1024xf32> to vector<1024x1xf32>
    %mul3A_6 = arith.constant 5.000000e-01 : f32
    %mul3A_7 = vector.broadcast %mul3A_6 : f32 to vector<1024x1xf32>
    %mul3A_8 = arith.mulf %mul3A_7, %broadcast_in_dim3A : vector<1024x1xf32>
    %dot_general3A = arith.constant dense<0.000000e+00> : vector<1024x1152xf32>
    %dot_general3A_9 = tpu.matmul %get3A_4, %get3A_1, %dot_general3A {dimension_numbers = #tpu.dot_dimension_numbers<[1], [1], [0], [0], [0, 0, 1, 0], [], []>, precision = #tpu.contract_precision<fp32>, transpose_lhs_hint = false} : vector<1024x64xf32>, vector<1152x64xf32>, vector<1024x1152xf32> -> vector<1024x1152xf32>
    %sub3A = vector.broadcast %mul3A_8 : vector<1024x1xf32> to vector<1024x1152xf32>
    %sub3A_10 = arith.subf %sub3A, %dot_general3A_9 : vector<1024x1152xf32>
    %reduce_min3A = arith.constant dense<0x7F800000> : vector<1152xf32>
    %reduce_min3A_11 = vector.multi_reduction <minimumf>, %sub3A_10, %reduce_min3A [0] : vector<1024x1152xf32> to vector<1152xf32>
    %broadcast_in_dim3A_12 = vector.shape_cast %reduce_min3A_11 : vector<1152xf32> to vector<1x1152xf32>
    %iota3A = tpu.iota {dimensions = array<i32: 0>} : vector<1024x1152xi32>
    %le3A = vector.broadcast %broadcast_in_dim3A_12 : vector<1x1152xf32> to vector<1024x1152xf32>
    %le3A_13 = arith.cmpf ole, %sub3A_10, %le3A : vector<1024x1152xf32>
    %jit3A = arith.constant 1024 : i32
    %broadcast_in_dim3A_14 = vector.broadcast %jit3A : i32 to vector<1024x1152xi32>
    %select_n3A = arith.select %le3A_13, %iota3A, %broadcast_in_dim3A_14 : vector<1024x1152xi1>, vector<1024x1152xi32>
    %reduce_min3A_15 = arith.constant dense<2147483647> : vector<1152xi32>
    %reduce_min3A_16 = vector.multi_reduction <minsi>, %select_n3A, %reduce_min3A_15 [0] : vector<1024x1152xi32> to vector<1152xi32>
    %broadcast_in_dim3A_17 = vector.shape_cast %reduce_min3A_16 : vector<1152xi32> to vector<1x1152xi32>
    %mul3A_18 = arith.constant 1152 : i32
    %mul3A_19 = arith.muli %arg0, %mul3A_18 : i32
    %multiple_of3A = tpu.assume_multiple %mul3A_19, 128 : i32
    %reshape3A = vector.shape_cast %broadcast_in_dim3A_17 : vector<1x1152xi32> to vector<1152xi32>
    %swap3A = arith.index_cast %multiple_of3A : i32 to index
    %swap3A_20 = vector.load %arg3[%swap3A] : memref<2304xi32, #tpu.memory_space<vmem>>, vector<1152xi32>
    tpu.vector_store %arg3[%swap3A], %reshape3A {strides = array<i32>} : memref<2304xi32, #tpu.memory_space<vmem>>, vector<1152xi32>,
    %eq3A = vector.broadcast %broadcast_in_dim3A_17 : vector<1x1152xi32> to vector<1024x1152xi32>
    %eq3A_21 = arith.cmpi eq, %iota3A, %eq3A : vector<1024x1152xi32>
    %jit3A_22 = arith.constant 0.000000e+00 : f32
    %broadcast_in_dim3A_23 = vector.broadcast %jit3A_22 : f32 to vector<1024x1152xf32>
    %select_n3A_24 = arith.select %eq3A_21, %dot_general3A_9, %broadcast_in_dim3A_23 : vector<1024x1152xi1>, vector<1024x1152xf32>
    %reduce_sum3A_25 = arith.constant dense<0.000000e+00> : vector<1152xf32>
    %reduce_sum3A_26 = vector.multi_reduction <add>, %select_n3A_24, %reduce_sum3A_25 [0] : vector<1024x1152xf32> to vector<1152xf32>
    %broadcast_in_dim3A_27 = vector.shape_cast %reduce_sum3A_26 : vector<1152xf32> to vector<1x1152xf32>
    %iota3A_28 = tpu.iota {dimensions = array<i32: 1>} : vector<1x1152xi32>
    %broadcast_in_dim3A_29 = arith.constant 0.000000e+00 : f32
    %broadcast_in_dim3A_30 = vector.broadcast %broadcast_in_dim3A_29 : f32 to vector<1x1xf32>
    %ge3A = arith.constant 0 : i32
    %ge3A_31 = vector.broadcast %ge3A : i32 to vector<1x1152xi32>
    %ge3A_32 = arith.cmpi sge, %iota3A_28, %ge3A_31 : vector<1x1152xi32>
    %lt3A = arith.constant 576 : i32
    %lt3A_33 = vector.broadcast %lt3A : i32 to vector<1x1152xi32>
    %lt3A_34 = arith.cmpi slt, %iota3A_28, %lt3A_33 : vector<1x1152xi32>
    %and3A = arith.andi %ge3A_32, %lt3A_34 : vector<1x1152xi1>
    %jit3A_35 = arith.constant -1.000000e+30 : f32
    %broadcast_in_dim3A_36 = vector.broadcast %jit3A_35 : f32 to vector<1x1152xf32>
    %select_n3A_37 = arith.select %and3A, %broadcast_in_dim3A_27, %broadcast_in_dim3A_36 : vector<1x1152xi1>, vector<1x1152xf32>
    %reduce_max3A = arith.constant dense<0xFF800000> : vector<1xf32>
    %reduce_max3A_38 = vector.multi_reduction <maximumf>, %select_n3A_37, %reduce_max3A [1] : vector<1x1152xf32> to vector<1xf32>
    %broadcast_in_dim3A_39 = vector.shape_cast %reduce_max3A_38 : vector<1xf32> to vector<1x1xf32>
    %sub3A_40 = vector.broadcast %broadcast_in_dim3A_39 : vector<1x1xf32> to vector<1x1152xf32>
    %sub3A_41 = arith.subf %broadcast_in_dim3A_27, %sub3A_40 : vector<1x1152xf32>
    %jit3A_42 = arith.constant -1.000000e+30 : f32
    %broadcast_in_dim3A_43 = vector.broadcast %jit3A_42 : f32 to vector<1x1152xf32>
    %select_n3A_44 = arith.select %and3A, %sub3A_41, %broadcast_in_dim3A_43 : vector<1x1152xi1>, vector<1x1152xf32>
    %exp3A = math.exp %select_n3A_44 : vector<1x1152xf32>
    %reduce_sum3A_45 = arith.constant dense<0.000000e+00> : vector<1xf32>
    %reduce_sum3A_46 = vector.multi_reduction <add>, %exp3A, %reduce_sum3A_45 [1] : vector<1x1152xf32> to vector<1xf32>
    %broadcast_in_dim3A_47 = vector.shape_cast %reduce_sum3A_46 : vector<1xf32> to vector<1x1xf32>
    %div3A = vector.broadcast %broadcast_in_dim3A_47 : vector<1x1xf32> to vector<1x1152xf32>
    %div3A_48 = arith.divf %exp3A, %div3A : vector<1x1152xf32>
    %reduce_sum3A_49 = arith.constant dense<0.000000e+00> : vector<1xf32>
    %reduce_sum3A_50 = vector.multi_reduction <add>, %div3A_48, %reduce_sum3A_49 [1] : vector<1x1152xf32> to vector<1xf32>
    %broadcast_in_dim3A_51 = vector.shape_cast %reduce_sum3A_50 : vector<1xf32> to vector<1x1xf32>
    %add3A = arith.addf %broadcast_in_dim3A_30, %broadcast_in_dim3A_51 : vector<1x1xf32>
    %ge3A_52 = arith.constant 576 : i32
    %ge3A_53 = vector.broadcast %ge3A_52 : i32 to vector<1x1152xi32>
    %ge3A_54 = arith.cmpi sge, %iota3A_28, %ge3A_53 : vector<1x1152xi32>
    %lt3A_55 = arith.constant 1152 : i32
    %lt3A_56 = vector.broadcast %lt3A_55 : i32 to vector<1x1152xi32>
    %lt3A_57 = arith.cmpi slt, %iota3A_28, %lt3A_56 : vector<1x1152xi32>
    %and3A_58 = arith.andi %ge3A_54, %lt3A_57 : vector<1x1152xi1>
    %jit3A_59 = arith.constant -1.000000e+30 : f32
    %broadcast_in_dim3A_60 = vector.broadcast %jit3A_59 : f32 to vector<1x1152xf32>
    %select_n3A_61 = arith.select %and3A_58, %broadcast_in_dim3A_27, %broadcast_in_dim3A_60 : vector<1x1152xi1>, vector<1x1152xf32>
    %reduce_max3A_62 = arith.constant dense<0xFF800000> : vector<1xf32>
    %reduce_max3A_63 = vector.multi_reduction <maximumf>, %select_n3A_61, %reduce_max3A_62 [1] : vector<1x1152xf32> to vector<1xf32>
    %broadcast_in_dim3A_64 = vector.shape_cast %reduce_max3A_63 : vector<1xf32> to vector<1x1xf32>
    %sub3A_65 = vector.broadcast %broadcast_in_dim3A_64 : vector<1x1xf32> to vector<1x1152xf32>
    %sub3A_66 = arith.subf %broadcast_in_dim3A_27, %sub3A_65 : vector<1x1152xf32>
    %jit3A_67 = arith.constant -1.000000e+30 : f32
    %broadcast_in_dim3A_68 = vector.broadcast %jit3A_67 : f32 to vector<1x1152xf32>
    %select_n3A_69 = arith.select %and3A_58, %sub3A_66, %broadcast_in_dim3A_68 : vector<1x1152xi1>, vector<1x1152xf32>
    %exp3A_70 = math.exp %select_n3A_69 : vector<1x1152xf32>
    %reduce_sum3A_71 = arith.constant dense<0.000000e+00> : vector<1xf32>
    %reduce_sum3A_72 = vector.multi_reduction <add>, %exp3A_70, %reduce_sum3A_71 [1] : vector<1x1152xf32> to vector<1xf32>
    %broadcast_in_dim3A_73 = vector.shape_cast %reduce_sum3A_72 : vector<1xf32> to vector<1x1xf32>
    %div3A_74 = vector.broadcast %broadcast_in_dim3A_73 : vector<1x1xf32> to vector<1x1152xf32>
    %div3A_75 = arith.divf %exp3A_70, %div3A_74 : vector<1x1152xf32>
    %reduce_sum3A_76 = arith.constant dense<0.000000e+00> : vector<1xf32>
    %reduce_sum3A_77 = vector.multi_reduction <add>, %div3A_75, %reduce_sum3A_76 [1] : vector<1x1152xf32> to vector<1xf32>
    %broadcast_in_dim3A_78 = vector.shape_cast %reduce_sum3A_77 : vector<1xf32> to vector<1x1xf32>
    %add3A_79 = arith.addf %add3A, %broadcast_in_dim3A_78 : vector<1x1xf32>
    %eq3A_80 = arith.constant 0 : i32
    %eq3A_81 = arith.cmpi eq, %arg0, %eq3A_80 : i32
    %convert_element_type3A = arith.extui %eq3A_81 : i1 to i32
    %cond3A = arith.constant 0 : i32
    %cond3A_82 = arith.cmpi ne, %convert_element_type3A, %cond3A : i32
    scf.if %cond3A_82 {
      %swap3A_88 = arith.constant 0.000000e+00 : f32
      %swap3A_89 = arith.constant 0 : index
      %swap3A_90 = memref.load %arg4[%swap3A_89] : memref<1xf32, #tpu.memory_space<smem>>
      memref.store %swap3A_88, %arg4[%swap3A_89] : memref<1xf32, #tpu.memory_space<smem>>
    } else {
    }
    %get3A_83 = arith.constant 0 : index
    %get3A_84 = memref.load %arg4[%get3A_83] : memref<1xf32, #tpu.memory_space<smem>>
    %squeeze3A = vector.extract %add3A_79[0, 0] : f32 from vector<1x1xf32>
    %add3A_85 = arith.addf %get3A_84, %squeeze3A : f32
    %swap3A_86 = arith.constant 0 : index
    %swap3A_87 = memref.load %arg4[%swap3A_86] : memref<1xf32, #tpu.memory_space<smem>>
    memref.store %add3A_85, %arg4[%swap3A_86] : memref<1xf32, #tpu.memory_space<smem>>
    return
  }
  func.func @transform_0(%arg0: i32) -> (i32, i32) {
    %c0_i32 = arith.constant 0 : i32
    %c0_i32_0 = arith.constant 0 : i32
    return %arg0, %c0_i32 : i32, i32
  }
  func.func @transform_1(%arg0: i32) -> (i32, i32) {
    %c0_i32 = arith.constant 0 : i32
    %c0_i32_0 = arith.constant 0 : i32
    %c0_i32_1 = arith.constant 0 : i32
    return %c0_i32, %c0_i32_0 : i32, i32
  }
  func.func @transform_2(%arg0: i32) -> i32 {
    %c0_i32 = arith.constant 0 : i32
    %c0_i32_0 = arith.constant 0 : i32
    return %c0_i32 : i32
  }
  func.func @transform_3(%arg0: i32) -> i32 {
    %c0_i32 = arith.constant 0 : i32
    %c0_i32_0 = arith.constant 0 : i32
    return %c0_i32 : i32
  }
}

</mosaic_0001>

<sc_bundles>
// kernel: kernel.4.cloned.1.call-start
scs
__scs_entry_jumppad:
0x0: {  	(pc) =	sbr.rel $0x88, $3  }
0x1: {  	(tag) =	ssettag $0x0;
	lr =	simm.s32 $0x1  }
0x2: {  	[smem:$0x3F9F] =	sst lr;
	_ =	strace $0xD0000000  }
0x3: {  	_ = 	snop  }
0x4: {  	_ = 	snop  }
0x5: {  	_ = 	snop  }
0x6: {  	_ = 	snop  }
0x7: {  	_ = 	snop  }
__scs_overlays_trampoline_lowered:
0x8: {  	[smem:$0x3FAE] =	sst s0  }
0x9: {  	[smem:$0x3FAF] =	sst s1  }
0xa: {  	[smem:$0x3FB0] =	sst s2  }
0xb: {  	[smem:$0x3FB1] =	sst s3  }
0xc: {  	[smem:$0x3FB2] =	sst s4  }
0xd: {  	[smem:$0x3FB3] =	sst s5  }
0xe: {  	[smem:$0x3FB4] =	sst s6  }
0xf: {  	[smem:$0x3FB5] =	sst s7  }
0x10: {  	[smem:$0x3FB6] =	sst s8  }
0x11: {  	[smem:$0x3FB7] =	sst s9;
	s0 =	simm.s32 @!p0 $0x0  }
0x12: {  	s1 =	sld [smem:$0x3F9D];
	s0 =	simm.s32 @p0 $0x1  }
0x13: {  	[smem:$0x3FB8] =	sst s0;
	s0 =	simm.s32 @!p1 $0x0  }
0x14: {  	s2 =	sld [smem:$0x3F9C];
	s0 =	simm.s32 @p1 $0x1  }
0x15: {  	[smem:$0x3FB9] =	sst s0;
	s0 =	simm.s32 @!p2 $0x0  }
0x16: {  	s3 =	sld [smem:$0x3FDB];
	s0 =	simm.s32 @p2 $0x1  }
0x17: {  	s4 =	simm.s32 $0x1BF5;
	[smem:$0x3FBB] =	sst s0  }
0x18: {  	s0 =	sld [smem:$0x3F9E];
	_ =	swait.ge [sflag:s4], $0x0  }
0x19: {  	s7 =	sld [smem:$0x3F9F]  }
0x1a: {  	s8 =	sadd.s32 $0xFFFFE003, lr  }
0x1b: {  	s9 =	sadd.s32 $0xFFFFFEF7, lr;
	s5 =	simm.s32 $0xFFFFFFFF;
	p2 =	slt.u32 s8, $0xFFFFF086  }
0x1c: {  	p1 =	slt.u32 s9, $0xF7A;
	s5 =	simm.s32 @!p2 $0x0  }
0x1d: {  	s5 =	simm.s32 @p1 $0x1;
	p0 =	seq.s32 s7, s2  }
0x1e: {  	s7 =	smul.u32 @!p0 $0xF7A, s2;
	p2 =	seq.s32 @!p0 s5, $0x0  }
0x1f: {  	s9 =	smul.u32 $0xF7A, s1;
	s8 =	simm.s32 @!p0 $0x1BF5;
	p2 =	por !p2, p0  }
0x20: {  	[sflag:s8] =	ssyncset.s32 @!p0 $0xFFFFF086;
	s6 =	sadd.s32 @!p0 s3, s7;
	s7 =	simm.s32 @!p0 $0x108  }
0x21: {  	s3 =	sadd.s32 s3, s9;
	s6 =	sadd.s32 @!p0 $0x88, s6;
	s7 =	simm.s32 @p2 $0x1082  }
0x22: {  	[simem:s7], [sflag:s8] =	dma.local @!p0 [hbm:s6], $0xF7A  }
0x23: {  	s9 =	sor.u32 $0xD0000000, s2;
	s6 =	simm.s32 $0x108;
	_ =	swait.ge @!p0 [sflag:s8], $0x0  }
0x24: {  	s3 =	sadd.s32 $0x88, s3;
	s6 =	simm.s32 @!p1 $0x1082;
	[sflag:s4] =	ssyncset.s32 $0xFFFFF086  }
0x25: {  	[simem:s6], [sflag:s4] =	dma.local [hbm:s3], $0xF7A  }
0x26: {  	[smem:$0x3F9F] =	sst s1;
	(tag) =	ssettag s2;
	_ =	strace s9  }
0x27: {  	s1 =	sld [smem:$0x3FAF]  }
0x28: {  	s2 =	sld [smem:$0x3FB0]  }
0x29: {  	s4 =	sld [smem:$0x3FB2]  }
0x2a: {  	p0 =	seq.s32 s5, $0x0;
	s5 =	sld [smem:$0x3FB3]  }
0x2b: {  	s6 =	sld [smem:$0x3FB4]  }
0x2c: {  	s7 =	sld [smem:$0x3FB5]  }
0x2d: {  	s3 =	simm.s32 $0x108;
	s8 =	sld [smem:$0x3FB6]  }
0x2e: {  	s3 =	simm.s32 @!p0 $0x1082;
	s9 =	sld [smem:$0x3FB7]  }
0x2f: {  	lr =	sadd.s32 s0, s3;
	s0 =	sld [smem:$0x3FAE]  }
0x30: {  	s3 =	sld [smem:$0x3FB1]  }
0x31: {  	[smem:$0x3FBA] =	sst s10  }
0x32: {  	s10 =	sld [smem:$0x3FB8];
	_ =	sdelay $0x3  }
0x33: {  	p0 =	seq.s32 s10, $0x1;
	s10 =	sld [smem:$0x3FBA];
	_ =	sdelay $0x3  }
0x34: {  	[smem:$0x3FBA] =	sst s10  }
0x35: {  	s10 =	sld [smem:$0x3FB9];
	_ =	sdelay $0x3  }
0x36: {  	p1 =	seq.s32 s10, $0x1;
	s10 =	sld [smem:$0x3FBA];
	_ =	sdelay $0x3  }
0x37: {  	[smem:$0x3FBA] =	sst s10  }
0x38: {  	s10 =	sld [smem:$0x3FBB]  }
0x39: {  	_ = 	snop;
	(pc) =	sbr.ind lr, $3  }
0x3a: {  	_ = 	snop  }
0x3b: {  	_ = 	snop  }
0x3c: {  	p2 =	seq.s32 s10, $0x1;
	s10 =	sld [smem:$0x3FBA]  }
0x3d: {  	_ =	shalt  }
0x3e: {  	_ =	shalt  }
0x3f: {  	_ =	shalt  }
0x40: {  	_ =	shalt  }
0x41: {  	_ =	shalt  }
0x42: {  	_ =	shalt  }
0x43: {  	_ =	shalt  }
0x44: {  	_ =	shalt  }
0x45: {  	_ =	shalt  }
0x46: {  	_ =	shalt  }
0x47: {  	_ =	shalt  }
0x48: {  	_ =	shalt  }
0x49: {  	_ =	shalt  }
0x4a: {  	_ =	shalt  }
0x4b: {  	_ =	shalt  }
0x4c: {  	_ =	shalt  }
0x4d: {  	_ =	shalt  }
0x4e: {  	_ =	shalt  }
0x4f: {  	_ =	shalt  }
0x50: {  	_ =	shalt  }
0x51: {  	_ =	shalt  }
0x52: {  	_ =	shalt  }
0x53: {  	_ =	shalt  }
0x54: {  	_ =	shalt  }
0x55: {  	_ =	shalt  }
0x56: {  	_ =	shalt  }
0x57: {  	_ =	shalt  }
0x58: {  	_ =	shalt  }
0x59: {  	_ =	shalt  }
0x5a: {  	_ =	shalt  }
0x5b: {  	_ =	shalt  }
0x5c: {  	_ =	shalt  }
0x5d: {  	_ =	shalt  }
0x5e: {  	_ =	shalt  }
0x5f: {  	_ =	shalt  }
0x60: {  	_ =	shalt  }
0x61: {  	_ =	shalt  }
0x62: {  	_ =	shalt  }
0x63: {  	_ =	shalt  }
0x64: {  	_ =	shalt  }
0x65: {  	_ =	shalt  }
0x66: {  	_ =	shalt  }
0x67: {  	_ =	shalt  }
0x68: {  	_ =	shalt  }
0x69: {  	_ =	shalt  }
0x6a: {  	_ =	shalt  }
0x6b: {  	_ =	shalt  }
0x6c: {  	_ =	shalt  }
0x6d: {  	_ =	shalt  }
0x6e: {  	_ =	shalt  }
0x6f: {  	_ =	shalt  }
0x70: {  	_ =	shalt  }
0x71: {  	_ =	shalt  }
0x72: {  	_ =	shalt  }
0x73: {  	_ =	shalt  }
0x74: {  	_ =	shalt  }
0x75: {  	_ =	shalt  }
0x76: {  	_ =	shalt  }
0x77: {  	_ =	shalt  }
0x78: {  	_ =	shalt  }
0x79: {  	_ =	shalt  }
0x7a: {  	_ =	shalt  }
0x7b: {  	_ =	shalt  }
0x7c: {  	_ =	shalt  }
0x7d: {  	_ =	shalt  }
0x7e: {  	_ =	shalt  }
0x7f: {  	_ =	shalt  }
0x80: {  	_ =	shalt  }
0x81: {  	_ =	shalt  }
0x82: {  	_ =	shalt  }
0x83: {  	_ =	shalt  }
0x84: {  	_ =	shalt  }
0x85: {  	_ =	shalt  }
0x86: {  	_ =	shalt  }
0x87: {  	_ =	shalt  }
.Lfunc_end0:
.L_simem_size_0:
called_computation_lowered:
.L_overlay_start_0:
0x88: {  	s0 =	sld [smem:$0x3FD9]  }
0x89: {  	s1 =	sld [smem:$0x3FFE];
	_ =	sdelay $0x3  }
0x8a: {  	s0 =	sadd.s32 s1, s0  }
0x8b: {  	[smem:$0x3FC6] =	sst s0  }
0x8c: {  	_ = 	snop  }
0x8d: {  	s0 =	sld [smem:$0x3FD0];
	_ =	sdelay $0x2  }
0x8e: {  	s13 =	simm.s32 $0xA;
	s2 =	simm.s32 $0x10  }
0x8f: {  	[smem:s2], [sflag:s13] =	dma.local [hbm:s0], $0x1  }
0x90: {  	_ =	swait.eq [sflag:s13], $0x1  }
0x91: {  	[sflag:s13] =	ssyncset.done $0x0  }
0x92: {  	[sflag:s13] =	ssyncadd.s32 $0xFFFFFFFF  }
0x93: {  	s14 =	sld [smem:$0x10];
	(tm) =	ssettm $0x1  }
0x94: {  	s15 =	sld [smem:$0x3FFB];
	_ =	sdelay $0x3  }
0x95: {  	_ =	strace s15  }
0x96: {  	s1 =	sld [smem:$0x3FFC];
	_ =	sdelay $0x3  }
0x97: {  	_ =	strace s1  }
0x98: {  	s1 =	sld [smem:$0x3FFD];
	_ =	sdelay $0x3  }
0x99: {  	_ =	strace s1  }
0x9a: {  	_ =	strace $0x8FFFFFFF  }
0x9b: {  	s16 =	sld [smem:$0x3FDB];
	_ =	sdelay $0x1  }
0x9c: {  	s17 =	simm.s32 $_scs_section_size  }
0x9d: {  	s3 =	simm.s32 $_size__tile_overlayer_lowered;
	s4 =	simm.s32 $_tile_overlayer_lowered  }
0x9e: {  	s20 =	simm.s32 $0x1BFF;
	s19 =	sshll.u32 s4, $0x1;
	s1 =	sadd.s32 s17, s16  }
0x9f: {  	s5 =	simm.s32 $0x0;
	s18 =	sshll.u32 s3, $0x1;
	s3 =	sadd.s32 s19, s1  }
0xa0: {  	[timem:s5], [sflag:s20] =	dma.local [hbm:s3], s18  }
0xa1: {  	_ =	swait.ge [sflag:s20], s18  }
0xa2: {  	s2 =	ssub.s32 $0x0, s18;
	[sflag:s20] =	ssyncset.done $0x0  }
0xa3: {  	[sflag:s20] =	ssyncadd.s32 s2;
	_ =	sdelay $0x1  }
0xa4: {  	s21 =	simm.s32 $0x1B8B  }
0xa5: {  	_ =	swait.ge [sflag:s21], $0x1  }
0xa6: {  	[sflag:s21] =	ssyncset.done $0x0  }
0xa7: {  	s23 =	simm.s32 $0x1B8E;
	s22 =	sld [smem:$0x3FFE];
	[sflag:s21] =	ssyncadd.s32 $0xFFFFFFFF  }
0xa8: {  	s24 =	simm.s32 $execute0_lowered;
	[smem:$0x3FD2] =	sst s23  }
0xa9: {  	s3 =	sshll.u32 s24, $0x1;
	_ =	strace $0x80000046;
	[dreg:$0x1] =	wrdreg $0xFFFFFFFF  }
0xaa: {  	s25 =	simm.s32 $_size_execute0_lowered;
	s1 =	sadd.s32 s1, s3;
	[dreg:$0x0] =	wrdreg $0x0  }
0xab: {  	s3 =	sshll.u32 s25, $0x1;
	[dreg:$0x2] =	wrdreg s1  }
0xac: {  	[dreg:$0x3] =	wrdreg s3  }
0xad: {  	[dreg:$0x4] =	wrdreg $0xC0  }
0xae: {  	_ =	task [dreg:s5], $0x5FFFF  }
0xaf: {  	[dreg:$0x1] =	wrdreg $0xFFFFFFFF  }
0xb0: {  	[dreg:$0x0] =	wrdreg $0x60  }
0xb1: {  	[dreg:$0x2] =	wrdreg s22  }
0xb2: {  	[dreg:$0x3] =	wrdreg s14  }
0xb3: {  	[dreg:$0x4] =	wrdreg $0x9  }
0xb4: {  	_ =	task.clear_ibuf [dreg:s5], $0x5FFFF;
	_ =	strace $0x90000046  }
0xb5: {  	s26 =	simm.s32 $0x9;
	_ =	strace $0x80000048  }
0xb6: {  	_ =	swait.ge [sflag:s26], $0x1  }
0xb7: {  	[sflag:s26] =	ssyncadd.s32 $0xFFFFFFFF  }
0xb8: {  	_ =	strace $0x90000048  }
0xb9: {  	_ =	sfence  }
0xba: {  	s28 =	sld [smem:$0x0];
	_ =	sdelay $0x1  }
0xbb: {  	s29 =	srdreg.scid  }
0xbc: {  	s30 =	sshll.u32 s29, $0xD;
	s31 =	sshrl.u32 s29, $0x2  }
0xbd: {  	s2 =	sand.u32 $0x4000, s30;
	s1 =	sand.u32 $0x1, s29;
	s0 =	sadd.s32 s31, s28  }
0xbe: {  	s1 =	sor.u32 s2, s1;
	s0 =	sshll.u32 s0, $0x11  }
0xbf: {  	s0 =	sor.u32 s0, s1  }
0xc0: {  	s0 =	sadd.s32 $0x8F2B, s0  }
0xc1: {  	[sflag:s0] =	ssyncadd.remote.s32 $0x1  }
0xc2: {  	_ =	sfence.sel $0xFFFF  }
0xc3: {  	[dreg:$0x0] =	wrdreg $0xFFFFFFFF;
	(pc) =	sbr.abs _section_cstart, $3  }
0xc4: {  	[dreg:$0x1] =	wrdreg $0xFFFFFFFF  }
0xc5: {  	_ =	task.clear_ibuf [dreg:s5], $0x2FFFF;
	_ =	strace $0x9FFFFFFF  }
0xc6: {  	(tm) =	ssettm $0x7FFFFFFF  }
0xc7: {  	_ =	shalt  }
tec
execute0_lowered:
.L_overlay_start_1:
0x0: {  	(tag) =	ssettag $0x1  }
0x1: {  	s0 =	rddreg [dreg:$0x0];
	s1 =	stileid.u32  }
0x2: {  	s2 =	rddreg [dreg:$0x1];
	s3 =	smul.u32 $0x12, s1  }
0x3: {  	s4 =	rddreg [dreg:$0x2];
	s5 =	simm.s32 $0x0  }
0x4: {  	[smem:$0x7FF] =	sst s5;
	s3 =	sadd.s32 s3, s0  }
0x5: {  	s30 =	simm.s32 $0x2;
	_ =	strace $0x80000047;
	s3 =	sadd.s32 $0x2A00, s3  }
0x6: {  	[tilespmem:s5], [sflag:$0x2] =	stream.linear.gather [hbm4b:s3+s5], $0x90, $0x38;
	[tilespmem:$0x2490] =	vst v63  }
0x7: {  	_ =	swait.ge [sflag:s30], $0x90  }
0x8: {  	s6 =	simm.s32 $0x90;
	[sflag:s30] =	ssyncset.done $0x0  }
0x9: {  	s31 =	simm.s32 $0x1;
	s0 =	sadd.s32 $0xA00, s0;
	[sflag:s30] =	ssyncadd.s32 $0xFFFFFF70  }
0xa: {  	[tilespmem:s6], [sflag:$0x1] =	stream.indirect.gather [hbm4b:s0+s6], $0x40, s5, s6, $0xb8;
	[tilespmem:$0x2490] =	vst v63  }
0xb: {  	s7 =	smul.u32 $0x480, s1;
	_ =	swait.ge [sflag:s31], $0x2400  }
0xc: {  	[sflag:s31] =	ssyncset.done $0x0  }
0xd: {  	s2 =	sadd.s32 s2, s7;
	[sflag:s31] =	ssyncadd.s32 $0xFFFFDC00  }
0xe: {  	[hbm4b:s2+s5] =	stream.linear.scatter [tilespmem:s6], [sflag:$0x2], $0x2400, $0x38;
	[tilespmem:$0x2490] =	vst v63  }
0xf: {  	_ =	swait.ge [sflag:s30], $0x2400  }
0x10: {  	[sflag:s30] =	ssyncset.done $0x0  }
0x11: {  	[sflag:s30] =	ssyncadd.s32 $0xFFFFDC00  }
0x12: {  	_ =	sfence.sel $0x180000  }
0x13: {  	[bflag:$0x0] =	sbarrier.arrive $0xFFFF  }
0x14: {  	p0 =	sne.s32 s1, $0x0;
	_ =	strace $0x90000047  }
0x15: {  	s0 =	sadd.s32 @!p0 $0x100000, s4;
	[bflag:$0x2] =	sbarrier.arrive $0xFFFF  }
0x16: {  	[sflag:s0] =	ssyncadd.tile.s32 @!p0 $0x1;
	_ =	shalt  }
.Lfunc_end2:
_tile_overlayer_lowered:
.L_overlay_start_2:
0x17: {  	(tag) =	ssettag $0x2  }
0x18: {  	s0 =	rddreg [dreg:$0x0];
	s2 =	stileid.u32  }
0x19: {  	s1 =	rddreg [dreg:$0x1];
	p0 =	sne.s32 s2, $0x0  }
0x1a: {  	s3 =	rddreg [dreg:$0x2];
	[bflag:$0x3] =	sbarrier.arrive $0xFFFF;
	s2 =	simm.s32 @!p0 $0x1C02  }
0x1b: {  	[timem:s3], [sflag:s2] =	dma.local @!p0 [hbm:s0], s1  }
0x1c: {  	s0 =	simm.s32 @!p0 $0x2  }
0x1d: {  	_ =	swait.ge @!p0 [sflag:s0], s1  }
0x1e: {  	s1 =	ssub.s32 @!p0 $0x0, s1;
	[sflag:s0] =	ssyncset.done @!p0 $0x0  }
0x1f: {  	[sflag:s0] =	ssyncadd.s32 @!p0 s1  }
0x20: {  	[bflag:$0x3] =	sbarrier.arrive $0xFFFF  }
0x21: {  	_ =	shalt  }

</sc_bundles>
